<compile_context>
chip_gen: v7x
topology: tpu7x:2x2x1
jax: 0.10.2.dev20260603
libtpu: 0.0.44.dev20260713+nightly
codegen_flags: <defaults>
</compile_context>

<pallas_src>
import functools

import jax
import jax.numpy as jnp
from jax import lax
from jax.experimental import pallas as pl
from jax.experimental.pallas import tpu as pltpu
from jax.experimental.pallas import tpu_sc as plsc

SEQ = 32
VOCAB = 1_000_000
BATCH = 32
CHUNK = 65536
NCHUNK = -(-VOCAB // CHUNK)


def _lse_body(x_ref, out_ref, m_ref, s_ref):
    i = pl.program_id(0)
    x = x_ref[...]
    col = lax.broadcasted_iota(jnp.int32, (SEQ, CHUNK), 1) + i * CHUNK
    x = jnp.where(col < VOCAB, x, -jnp.inf)
    mc = jnp.max(x, axis=1, keepdims=True)

    @pl.when(i == 0)
    def _():
        m_ref[...] = jnp.broadcast_to(mc, (SEQ, 128))
        sc = jnp.sum(jnp.exp(x - mc), axis=1, keepdims=True)
        s_ref[...] = jnp.broadcast_to(sc, (SEQ, 128))

    @pl.when(i > 0)
    def _():
        m_old = m_ref[:, :1]
        m_new = jnp.maximum(m_old, mc)
        s_new = s_ref[:, :1] * jnp.exp(m_old - m_new) + jnp.sum(
            jnp.exp(x - m_new), axis=1, keepdims=True
        )
        m_ref[...] = jnp.broadcast_to(m_new, (SEQ, 128))
        s_ref[...] = jnp.broadcast_to(s_new, (SEQ, 128))

    @pl.when(i == NCHUNK - 1)
    def _():
        out_ref[...] = m_ref[...] + jnp.log(s_ref[...])


def _lse(logits):
    return pl.pallas_call(
        _lse_body,
        grid=(NCHUNK,),
        in_specs=[pl.BlockSpec((SEQ, CHUNK), lambda i: (0, i))],
        out_specs=pl.BlockSpec((SEQ, 128), lambda i: (0, 0)),
        out_shape=jax.ShapeDtypeStruct((SEQ, 128), jnp.float32),
        scratch_shapes=[
            pltpu.VMEM((SEQ, 128), jnp.float32),
            pltpu.VMEM((SEQ, 128), jnp.float32),
        ],
    )(logits)


@functools.cache
def _sc_gather_kernel():
    mesh = plsc.VectorSubcoreMesh(core_axis_name="c", subcore_axis_name="s")

    @functools.partial(
        pl.kernel,
        mesh=mesh,
        out_type=jax.ShapeDtypeStruct((BATCH, SEQ), jnp.float32),
        scratch_types=[
            pltpu.VMEM((SEQ,), jnp.int32),
            pltpu.VMEM((SEQ,), jnp.int32),
            pltpu.VMEM((SEQ,), jnp.float32),
            pltpu.VMEM((SEQ,), jnp.float32),
            pltpu.VMEM((SEQ,), jnp.float32),
            pltpu.SemaphoreType.DMA,
        ],
    )
    def _sc_gather(flat_hbm, tokens_hbm, lse_hbm, out_hbm, tok_v, idx_v,
                   val_v, lse_v, o_v, sem):
        b = lax.axis_index("s") * 2 + lax.axis_index("c")
        pltpu.sync_copy(tokens_hbm.at[b], tok_v)
        pltpu.sync_copy(lse_hbm.at[b, pl.ds(0, SEQ)], lse_v)
        for c in range(SEQ // 16):
            tok = tok_v[pl.ds(c * 16, 16)]
            idx_v[pl.ds(c * 16, 16)] = tok + b * VOCAB
        pltpu.async_copy(flat_hbm.at[idx_v], val_v, sem).wait()
        for c in range(SEQ // 16):
            o_v[pl.ds(c * 16, 16)] = (
                val_v[pl.ds(c * 16, 16)] - lse_v[pl.ds(c * 16, 16)]
            )
        pltpu.sync_copy(o_v, out_hbm.at[b])

    return _sc_gather


def kernel(tokens, logits):
    lse = _lse(logits)
    flat = logits.reshape(SEQ * VOCAB)
    return _sc_gather_kernel()(flat, tokens, lse)

# --- scband reference (transcript-rebuilt; emitter-appended) ---
"""Pipeline reference for scband-position-policy-12017318494620 (READ-ONLY COPY).

The authoritative reference and input builder live on the scoring server;
editing this copy changes nothing except your own understanding.
"""

import jax, jax.numpy as jnp
import numpy as np

SEQ_LEN = 32
VOCAB_SIZE = 1000000
BATCH = 32


def setup_inputs(seed: int = 0) -> dict:
    key = jax.random.key(seed)
    k1, k2 = jax.random.split(key)
    tokens = jax.random.randint(k1, (BATCH, SEQ_LEN), 0, VOCAB_SIZE, dtype=jnp.int32)
    # learned parameter: per-position logits (seq_len, vocab_size)
    logits = jax.random.normal(k2, (SEQ_LEN, VOCAB_SIZE), dtype=jnp.float32) * 0.02
    return {"tokens": tokens, "logits": logits}


def reference(tokens, logits):
    # Faithful translation of PositionPolicy.log_probs_of:
    #   lp = F.log_softmax(self.logits, dim=-1)
    #   return lp[torch.arange(self.seq_len), tokens.T].T
    # NOTE: advanced-indexing broadcast semantics are identical in torch and
    # jax/numpy; with BATCH == SEQ_LEN the expression is well-formed in both.
    lp = jax.nn.log_softmax(logits, axis=-1)
    return lp[jnp.arange(SEQ_LEN), tokens.T].T

if __name__ == "__main__":
    import jax
    _d = setup_inputs()
    print(jax.jit(kernel)(*tuple(_d.values())))

</pallas_src>

<mosaic_0001>
#map = affine_map<(d0, d1) -> (0)>
#map1 = affine_map<(d0, d1) -> (0, 0)>
module attributes {stable_mosaic.version = 14 : i64} {
  func.func @_sc_gather(%arg0: i32, %arg1: i32, %arg2: memref<32000000xf32, #tpu.memory_space<hbm>>, %arg3: memref<32x32xi32, #tpu.memory_space<hbm>>, %arg4: memref<32x128xf32, #tpu.memory_space<hbm>>, %arg5: memref<32x32xf32, #tpu.memory_space<hbm>>, %arg6: memref<32xi32, #tpu.memory_space<vmem>>, %arg7: memref<32xi32, #tpu.memory_space<vmem>>, %arg8: memref<32xf32, #tpu.memory_space<vmem>>, %arg9: memref<32xf32, #tpu.memory_space<vmem>>, %arg10: memref<32xf32, #tpu.memory_space<vmem>>, %arg11: memref<!tpu.dma_semaphore, #tpu.memory_space<semaphore_mem>>) attributes {dimension_semantics = [#tpu.dimension_semantics<core_parallel>, #tpu.dimension_semantics<subcore_parallel>], iteration_bounds = array<i64: 2, 16>, scalar_prefetch = 0 : i64, scratch_operands = 6 : i64, tpu.core_type = #tpu.core_type<sc_vector_subcore>, window_params = [{transform_indices = #map}, {transform_indices = #map1}, {transform_indices = #map1}, {transform_indices = #map1}]} {
    %mul3A = arith.constant 2 : i32
    %mul3A_0 = arith.muli %arg1, %mul3A : i32
    %add3A = arith.addi %mul3A_0, %arg0 : i32
    "tpu.region"() ({
      %run_scoped3A = tpu.sem_alloc : memref<!tpu.dma_semaphore, #tpu.memory_space<semaphore_mem>>
      %dma_start3A_44 = arith.constant 0 : i32
      %dma_start3A_45 = tpu.memref_slice %arg3[%add3A, %dma_start3A_44] : memref<32x32xi32, #tpu.memory_space<hbm>> -> memref<1x32xi32, #tpu.memory_space<hbm>>
      %dma_start3A_46 = tpu.memref_squeeze %dma_start3A_45 : memref<1x32xi32, #tpu.memory_space<hbm>> -> memref<32xi32, #tpu.memory_space<hbm>>
      %dma_start3A_47 = arith.constant 0 : i32
      %dma_start3A_48 = tpu.memref_slice %arg3[%add3A, %dma_start3A_47] : memref<32x32xi32, #tpu.memory_space<hbm>> -> memref<1x32xi32, #tpu.memory_space<hbm>>
      %dma_start3A_49 = tpu.memref_squeeze %dma_start3A_48 : memref<1x32xi32, #tpu.memory_space<hbm>> -> memref<32xi32, #tpu.memory_space<hbm>>
      tpu.enqueue_dma source(%dma_start3A_49 : memref<32xi32, #tpu.memory_space<hbm>>) target(%arg6 : memref<32xi32, #tpu.memory_space<vmem>>) target_semaphore(%run_scoped3A : memref<!tpu.dma_semaphore, #tpu.memory_space<semaphore_mem>>)
      %dma_wait3A_50 = arith.constant 0 : i32
      %dma_wait3A_51 = tpu.memref_slice %arg3[%add3A, %dma_wait3A_50] : memref<32x32xi32, #tpu.memory_space<hbm>> -> memref<1x32xi32, #tpu.memory_space<hbm>>
      %dma_wait3A_52 = tpu.memref_squeeze %dma_wait3A_51 : memref<1x32xi32, #tpu.memory_space<hbm>> -> memref<32xi32, #tpu.memory_space<hbm>>
      %dma_wait3A_53 = arith.constant 0 : i32
      %dma_wait3A_54 = tpu.memref_slice %arg3[%add3A, %dma_wait3A_53] : memref<32x32xi32, #tpu.memory_space<hbm>> -> memref<1x32xi32, #tpu.memory_space<hbm>>
      %dma_wait3A_55 = tpu.memref_squeeze %dma_wait3A_54 : memref<1x32xi32, #tpu.memory_space<hbm>> -> memref<32xi32, #tpu.memory_space<hbm>>
      tpu.wait_dma2 semaphore(%run_scoped3A : memref<!tpu.dma_semaphore, #tpu.memory_space<semaphore_mem>>) src(%dma_wait3A_55 : memref<32xi32, #tpu.memory_space<hbm>>) dst(%arg6 : memref<32xi32, #tpu.memory_space<vmem>>)
      tpu.yield
    }) : () -> ()
    "tpu.region"() ({
      %run_scoped3A = tpu.sem_alloc : memref<!tpu.dma_semaphore, #tpu.memory_space<semaphore_mem>>
      %dma_start3A_44 = arith.constant 0 : i32
      %dma_start3A_45 = tpu.memref_slice %arg4[%add3A, %dma_start3A_44] : memref<32x128xf32, #tpu.memory_space<hbm>> -> memref<1x32xf32, #tpu.memory_space<hbm>>
      %dma_start3A_46 = tpu.memref_squeeze %dma_start3A_45 : memref<1x32xf32, #tpu.memory_space<hbm>> -> memref<32xf32, #tpu.memory_space<hbm>>
      %dma_start3A_47 = arith.constant 0 : i32
      %dma_start3A_48 = tpu.memref_slice %arg4[%add3A, %dma_start3A_47] : memref<32x128xf32, #tpu.memory_space<hbm>> -> memref<1x32xf32, #tpu.memory_space<hbm>>
      %dma_start3A_49 = tpu.memref_squeeze %dma_start3A_48 : memref<1x32xf32, #tpu.memory_space<hbm>> -> memref<32xf32, #tpu.memory_space<hbm>>
      tpu.enqueue_dma source(%dma_start3A_49 : memref<32xf32, #tpu.memory_space<hbm>>) target(%arg9 : memref<32xf32, #tpu.memory_space<vmem>>) target_semaphore(%run_scoped3A : memref<!tpu.dma_semaphore, #tpu.memory_space<semaphore_mem>>)
      %dma_wait3A_50 = arith.constant 0 : i32
      %dma_wait3A_51 = tpu.memref_slice %arg4[%add3A, %dma_wait3A_50] : memref<32x128xf32, #tpu.memory_space<hbm>> -> memref<1x32xf32, #tpu.memory_space<hbm>>
      %dma_wait3A_52 = tpu.memref_squeeze %dma_wait3A_51 : memref<1x32xf32, #tpu.memory_space<hbm>> -> memref<32xf32, #tpu.memory_space<hbm>>
      %dma_wait3A_53 = arith.constant 0 : i32
      %dma_wait3A_54 = tpu.memref_slice %arg4[%add3A, %dma_wait3A_53] : memref<32x128xf32, #tpu.memory_space<hbm>> -> memref<1x32xf32, #tpu.memory_space<hbm>>
      %dma_wait3A_55 = tpu.memref_squeeze %dma_wait3A_54 : memref<1x32xf32, #tpu.memory_space<hbm>> -> memref<32xf32, #tpu.memory_space<hbm>>
      tpu.wait_dma2 semaphore(%run_scoped3A : memref<!tpu.dma_semaphore, #tpu.memory_space<semaphore_mem>>) src(%dma_wait3A_55 : memref<32xf32, #tpu.memory_space<hbm>>) dst(%arg9 : memref<32xf32, #tpu.memory_space<vmem>>)
      tpu.yield
    }) : () -> ()
    %get3A = arith.constant 0 : index
    %get3A_1 = tpu.vector_load %arg6[%get3A] {strides = array<i32>} : memref<32xi32, #tpu.memory_space<vmem>>, vector<16xi32>,
    %get3A_2 = vector.shape_cast %get3A_1 : vector<16xi32> to vector<16xi32>
    %mul3A_3 = arith.constant 1000000 : i32
    %mul3A_4 = arith.muli %add3A, %mul3A_3 : i32
    %add3A_5 = vector.broadcast %mul3A_4 : i32 to vector<16xi32>
    %add3A_6 = arith.addi %get3A_2, %add3A_5 : vector<16xi32>
    %swap3A = arith.constant 0 : index
    %swap3A_7 = tpu.vector_load %arg7[%swap3A] {strides = array<i32>} : memref<32xi32, #tpu.memory_space<vmem>>, vector<16xi32>,
    %swap3A_8 = vector.shape_cast %swap3A_7 : vector<16xi32> to vector<16xi32>
    %swap3A_9 = vector.shape_cast %add3A_6 : vector<16xi32> to vector<16xi32>
    tpu.vector_store %arg7[%swap3A], %swap3A_9 {strides = array<i32>} : memref<32xi32, #tpu.memory_space<vmem>>, vector<16xi32>,
    %get3A_10 = arith.constant 16 : index
    %get3A_11 = tpu.vector_load %arg6[%get3A_10] {strides = array<i32>} : memref<32xi32, #tpu.memory_space<vmem>>, vector<16xi32>,
    %get3A_12 = vector.shape_cast %get3A_11 : vector<16xi32> to vector<16xi32>
    %mul3A_13 = arith.constant 1000000 : i32
    %mul3A_14 = arith.muli %add3A, %mul3A_13 : i32
    %add3A_15 = vector.broadcast %mul3A_14 : i32 to vector<16xi32>
    %add3A_16 = arith.addi %get3A_12, %add3A_15 : vector<16xi32>
    %swap3A_17 = arith.constant 16 : index
    %swap3A_18 = tpu.vector_load %arg7[%swap3A_17] {strides = array<i32>} : memref<32xi32, #tpu.memory_space<vmem>>, vector<16xi32>,
    %swap3A_19 = vector.shape_cast %swap3A_18 : vector<16xi32> to vector<16xi32>
    %swap3A_20 = vector.shape_cast %add3A_16 : vector<16xi32> to vector<16xi32>
    tpu.vector_store %arg7[%swap3A_17], %swap3A_20 {strides = array<i32>} : memref<32xi32, #tpu.memory_space<vmem>>, vector<16xi32>,
    %dma_start3A = arith.constant 0 : i32
    %dma_start3A_21 = tpu.memref_slice %arg2[%dma_start3A] : memref<32000000xf32, #tpu.memory_space<hbm>> -> memref<32000000xf32, #tpu.memory_space<hbm>>
    tpu.enqueue_indirect_dma source(%dma_start3A_21 : memref<32000000xf32, #tpu.memory_space<hbm>>) target(%arg8 : memref<32xf32, #tpu.memory_space<vmem>>) offsets(%arg7 : memref<32xi32, #tpu.memory_space<vmem>>) semaphore(%arg11 : memref<!tpu.dma_semaphore, #tpu.memory_space<semaphore_mem>>)
    %dma_wait3A = arith.constant 0 : i32
    %dma_wait3A_22 = tpu.memref_slice %arg2[%dma_wait3A] : memref<32000000xf32, #tpu.memory_space<hbm>> -> memref<32000000xf32, #tpu.memory_space<hbm>>
    tpu.wait_indirect_dma semaphore(%arg11 : memref<!tpu.dma_semaphore, #tpu.memory_space<semaphore_mem>>) src(%dma_wait3A_22 : memref<32000000xf32, #tpu.memory_space<hbm>>) dst(%arg8 : memref<32xf32, #tpu.memory_space<vmem>>)
    %get3A_23 = arith.constant 0 : index
    %get3A_24 = tpu.vector_load %arg8[%get3A_23] {strides = array<i32>} : memref<32xf32, #tpu.memory_space<vmem>>, vector<16xf32>,
    %get3A_25 = vector.shape_cast %get3A_24 : vector<16xf32> to vector<16xf32>
    %get3A_26 = arith.constant 0 : index
    %get3A_27 = tpu.vector_load %arg9[%get3A_26] {strides = array<i32>} : memref<32xf32, #tpu.memory_space<vmem>>, vector<16xf32>,
    %get3A_28 = vector.shape_cast %get3A_27 : vector<16xf32> to vector<16xf32>
    %sub3A = arith.subf %get3A_25, %get3A_28 : vector<16xf32>
    %swap3A_29 = arith.constant 0 : index
    %swap3A_30 = tpu.vector_load %arg10[%swap3A_29] {strides = array<i32>} : memref<32xf32, #tpu.memory_space<vmem>>, vector<16xf32>,
    %swap3A_31 = vector.shape_cast %swap3A_30 : vector<16xf32> to vector<16xf32>
    %swap3A_32 = vector.shape_cast %sub3A : vector<16xf32> to vector<16xf32>
    tpu.vector_store %arg10[%swap3A_29], %swap3A_32 {strides = array<i32>} : memref<32xf32, #tpu.memory_space<vmem>>, vector<16xf32>,
    %get3A_33 = arith.constant 16 : index
    %get3A_34 = tpu.vector_load %arg8[%get3A_33] {strides = array<i32>} : memref<32xf32, #tpu.memory_space<vmem>>, vector<16xf32>,
    %get3A_35 = vector.shape_cast %get3A_34 : vector<16xf32> to vector<16xf32>
    %get3A_36 = arith.constant 16 : index
    %get3A_37 = tpu.vector_load %arg9[%get3A_36] {strides = array<i32>} : memref<32xf32, #tpu.memory_space<vmem>>, vector<16xf32>,
    %get3A_38 = vector.shape_cast %get3A_37 : vector<16xf32> to vector<16xf32>
    %sub3A_39 = arith.subf %get3A_35, %get3A_38 : vector<16xf32>
    %swap3A_40 = arith.constant 16 : index
    %swap3A_41 = tpu.vector_load %arg10[%swap3A_40] {strides = array<i32>} : memref<32xf32, #tpu.memory_space<vmem>>, vector<16xf32>,
    %swap3A_42 = vector.shape_cast %swap3A_41 : vector<16xf32> to vector<16xf32>
    %swap3A_43 = vector.shape_cast %sub3A_39 : vector<16xf32> to vector<16xf32>
    tpu.vector_store %arg10[%swap3A_40], %swap3A_43 {strides = array<i32>} : memref<32xf32, #tpu.memory_space<vmem>>, vector<16xf32>,
    "tpu.region"() ({
      %run_scoped3A = tpu.sem_alloc : memref<!tpu.dma_semaphore, #tpu.memory_space<semaphore_mem>>
      %dma_start3A_44 = arith.constant 0 : i32
      %dma_start3A_45 = tpu.memref_slice %arg5[%add3A, %dma_start3A_44] : memref<32x32xf32, #tpu.memory_space<hbm>> -> memref<1x32xf32, #tpu.memory_space<hbm>>
      %dma_start3A_46 = tpu.memref_squeeze %dma_start3A_45 : memref<1x32xf32, #tpu.memory_space<hbm>> -> memref<32xf32, #tpu.memory_space<hbm>>
      %dma_start3A_47 = arith.constant 0 : i32
      %dma_start3A_48 = tpu.memref_slice %arg5[%add3A, %dma_start3A_47] : memref<32x32xf32, #tpu.memory_space<hbm>> -> memref<1x32xf32, #tpu.memory_space<hbm>>
      %dma_start3A_49 = tpu.memref_squeeze %dma_start3A_48 : memref<1x32xf32, #tpu.memory_space<hbm>> -> memref<32xf32, #tpu.memory_space<hbm>>
      tpu.enqueue_dma source(%arg10 : memref<32xf32, #tpu.memory_space<vmem>>) target(%dma_start3A_49 : memref<32xf32, #tpu.memory_space<hbm>>) target_semaphore(%run_scoped3A : memref<!tpu.dma_semaphore, #tpu.memory_space<semaphore_mem>>)
      %dma_wait3A_50 = arith.constant 0 : i32
      %dma_wait3A_51 = tpu.memref_slice %arg5[%add3A, %dma_wait3A_50] : memref<32x32xf32, #tpu.memory_space<hbm>> -> memref<1x32xf32, #tpu.memory_space<hbm>>
      %dma_wait3A_52 = tpu.memref_squeeze %dma_wait3A_51 : memref<1x32xf32, #tpu.memory_space<hbm>> -> memref<32xf32, #tpu.memory_space<hbm>>
      %dma_wait3A_53 = arith.constant 0 : i32
      %dma_wait3A_54 = tpu.memref_slice %arg5[%add3A, %dma_wait3A_53] : memref<32x32xf32, #tpu.memory_space<hbm>> -> memref<1x32xf32, #tpu.memory_space<hbm>>
      %dma_wait3A_55 = tpu.memref_squeeze %dma_wait3A_54 : memref<1x32xf32, #tpu.memory_space<hbm>> -> memref<32xf32, #tpu.memory_space<hbm>>
      tpu.wait_dma2 semaphore(%run_scoped3A : memref<!tpu.dma_semaphore, #tpu.memory_space<semaphore_mem>>) src(%arg10 : memref<32xf32, #tpu.memory_space<vmem>>) dst(%dma_wait3A_55 : memref<32xf32, #tpu.memory_space<hbm>>)
      tpu.yield
    }) : () -> ()
    return
  }
}

module attributes {stable_mosaic.version = 14 : i64} {
  func.func @_lse_body(%arg0: i32, %arg1: memref<32x65536xf32, #tpu.memory_space<vmem>>, %arg2: memref<32x128xf32, #tpu.memory_space<vmem>>, %arg3: memref<32x128xf32, #tpu.memory_space<vmem>>, %arg4: memref<32x128xf32, #tpu.memory_space<vmem>>) attributes {dimension_semantics = [#tpu.dimension_semantics<arbitrary>], iteration_bounds = array<i64: 16>, scalar_prefetch = 0 : i64, scratch_operands = 2 : i64, tpu.core_type = #tpu.core_type<tc>, window_params = [{transform_indices = @transform_0, window_bounds = array<i64: 32, 65536>}, {pipeline_mode = #tpu.pipeline_mode<synchronous>, transform_indices = @transform_1, window_bounds = array<i64: 32, 128>}]} {
    %get3A = arith.constant 0 : index
    %get3A_0 = arith.constant 0 : index
    %get3A_1 = vector.load %arg1[%get3A, %get3A_0] : memref<32x65536xf32, #tpu.memory_space<vmem>>, vector<32x65536xf32>
    %iota3A = tpu.iota {dimensions = array<i32: 1>} : vector<32x65536xi32>
    %mul3A = arith.constant 65536 : i32
    %mul3A_2 = arith.muli %arg0, %mul3A : i32
    %add3A = vector.broadcast %mul3A_2 : i32 to vector<32x65536xi32>
    %add3A_3 = arith.addi %iota3A, %add3A : vector<32x65536xi32>
    %lt3A = arith.constant 1000000 : i32
    %lt3A_4 = vector.broadcast %lt3A : i32 to vector<32x65536xi32>
    %lt3A_5 = arith.cmpi slt, %add3A_3, %lt3A_4 : vector<32x65536xi32>
    %jit3A = arith.constant 0xFF800000 : f32
    %broadcast_in_dim3A = vector.broadcast %jit3A : f32 to vector<32x65536xf32>
    %select_n3A = arith.select %lt3A_5, %get3A_1, %broadcast_in_dim3A : vector<32x65536xi1>, vector<32x65536xf32>
    %reduce_max3A = arith.constant dense<0xFF800000> : vector<32xf32>
    %reduce_max3A_6 = vector.multi_reduction <maximumf>, %select_n3A, %reduce_max3A [1] : vector<32x65536xf32> to vector<32xf32>
    %broadcast_in_dim3A_7 = vector.shape_cast %reduce_max3A_6 : vector<32xf32> to vector<32x1xf32>
    %eq3A = arith.constant 0 : i32
    %eq3A_8 = arith.cmpi eq, %arg0, %eq3A : i32
    %convert_element_type3A = arith.extui %eq3A_8 : i1 to i32
    %cond3A = arith.constant 0 : i32
    %cond3A_9 = arith.cmpi ne, %convert_element_type3A, %cond3A : i32
    scf.if %cond3A_9 {
      %broadcast_in_dim3A_19 = vector.shape_cast %broadcast_in_dim3A_7 : vector<32x1xf32> to vector<32x1xf32>
      %broadcast_in_dim3A_20 = vector.broadcast %broadcast_in_dim3A_19 : vector<32x1xf32> to vector<32x128xf32>
      %swap3A = arith.constant 0 : index
      %swap3A_21 = arith.constant 0 : index
      %swap3A_22 = vector.load %arg3[%swap3A, %swap3A_21] : memref<32x128xf32, #tpu.memory_space<vmem>>, vector<32x128xf32>
      tpu.vector_store %arg3[%swap3A, %swap3A_21], %broadcast_in_dim3A_20 {strides = array<i32>} : memref<32x128xf32, #tpu.memory_space<vmem>>, vector<32x128xf32>,
      %sub3A = vector.broadcast %broadcast_in_dim3A_7 : vector<32x1xf32> to vector<32x65536xf32>
      %sub3A_23 = arith.subf %select_n3A, %sub3A : vector<32x65536xf32>
      %exp3A = math.exp %sub3A_23 : vector<32x65536xf32>
      %reduce_sum3A = arith.constant dense<0.000000e+00> : vector<32xf32>
      %reduce_sum3A_24 = vector.multi_reduction <add>, %exp3A, %reduce_sum3A [1] : vector<32x65536xf32> to vector<32xf32>
      %broadcast_in_dim3A_25 = vector.shape_cast %reduce_sum3A_24 : vector<32xf32> to vector<32x1xf32>
      %broadcast_in_dim3A_26 = vector.shape_cast %broadcast_in_dim3A_25 : vector<32x1xf32> to vector<32x1xf32>
      %broadcast_in_dim3A_27 = vector.broadcast %broadcast_in_dim3A_26 : vector<32x1xf32> to vector<32x128xf32>
      %swap3A_28 = arith.constant 0 : index
      %swap3A_29 = arith.constant 0 : index
      %swap3A_30 = vector.load %arg4[%swap3A_28, %swap3A_29] : memref<32x128xf32, #tpu.memory_space<vmem>>, vector<32x128xf32>
      tpu.vector_store %arg4[%swap3A_28, %swap3A_29], %broadcast_in_dim3A_27 {strides = array<i32>} : memref<32x128xf32, #tpu.memory_space<vmem>>, vector<32x128xf32>,
    } else {
    }
    %gt3A = arith.constant 0 : i32
    %gt3A_10 = arith.cmpi sgt, %arg0, %gt3A : i32
    %convert_element_type3A_11 = arith.extui %gt3A_10 : i1 to i32
    %cond3A_12 = arith.constant 0 : i32
    %cond3A_13 = arith.cmpi ne, %convert_element_type3A_11, %cond3A_12 : i32
    scf.if %cond3A_13 {
      %get3A_19 = arith.constant 0 : index
      %get3A_20 = arith.constant 0 : index
      %get3A_21 = vector.load %arg3[%get3A_19, %get3A_20] : memref<32x128xf32, #tpu.memory_space<vmem>>, vector<32x1xf32>
      %max3A = arith.maximumf %get3A_21, %broadcast_in_dim3A_7 : vector<32x1xf32>
      %get3A_22 = arith.constant 0 : index
      %get3A_23 = arith.constant 0 : index
      %get3A_24 = vector.load %arg4[%get3A_22, %get3A_23] : memref<32x128xf32, #tpu.memory_space<vmem>>, vector<32x1xf32>
      %sub3A = arith.subf %get3A_21, %max3A : vector<32x1xf32>
      %exp3A = math.exp %sub3A : vector<32x1xf32>
      %mul3A_25 = arith.mulf %get3A_24, %exp3A : vector<32x1xf32>
      %sub3A_26 = vector.broadcast %max3A : vector<32x1xf32> to vector<32x65536xf32>
      %sub3A_27 = arith.subf %select_n3A, %sub3A_26 : vector<32x65536xf32>
      %exp3A_28 = math.exp %sub3A_27 : vector<32x65536xf32>
      %reduce_sum3A = arith.constant dense<0.000000e+00> : vector<32xf32>
      %reduce_sum3A_29 = vector.multi_reduction <add>, %exp3A_28, %reduce_sum3A [1] : vector<32x65536xf32> to vector<32xf32>
      %broadcast_in_dim3A_30 = vector.shape_cast %reduce_sum3A_29 : vector<32xf32> to vector<32x1xf32>
      %add3A_31 = arith.addf %mul3A_25, %broadcast_in_dim3A_30 : vector<32x1xf32>
      %broadcast_in_dim3A_32 = vector.shape_cast %max3A : vector<32x1xf32> to vector<32x1xf32>
      %broadcast_in_dim3A_33 = vector.broadcast %broadcast_in_dim3A_32 : vector<32x1xf32> to vector<32x128xf32>
      %swap3A = arith.constant 0 : index
      %swap3A_34 = arith.constant 0 : index
      %swap3A_35 = vector.load %arg3[%swap3A, %swap3A_34] : memref<32x128xf32, #tpu.memory_space<vmem>>, vector<32x128xf32>
      tpu.vector_store %arg3[%swap3A, %swap3A_34], %broadcast_in_dim3A_33 {strides = array<i32>} : memref<32x128xf32, #tpu.memory_space<vmem>>, vector<32x128xf32>,
      %broadcast_in_dim3A_36 = vector.shape_cast %add3A_31 : vector<32x1xf32> to vector<32x1xf32>
      %broadcast_in_dim3A_37 = vector.broadcast %broadcast_in_dim3A_36 : vector<32x1xf32> to vector<32x128xf32>
      %swap3A_38 = arith.constant 0 : index
      %swap3A_39 = arith.constant 0 : index
      %swap3A_40 = vector.load %arg4[%swap3A_38, %swap3A_39] : memref<32x128xf32, #tpu.memory_space<vmem>>, vector<32x128xf32>
      tpu.vector_store %arg4[%swap3A_38, %swap3A_39], %broadcast_in_dim3A_37 {strides = array<i32>} : memref<32x128xf32, #tpu.memory_space<vmem>>, vector<32x128xf32>,
    } else {
    }
    %eq3A_14 = arith.constant 15 : i32
    %eq3A_15 = arith.cmpi eq, %arg0, %eq3A_14 : i32
    %convert_element_type3A_16 = arith.extui %eq3A_15 : i1 to i32
    %cond3A_17 = arith.constant 0 : i32
    %cond3A_18 = arith.cmpi ne, %convert_element_type3A_16, %cond3A_17 : i32
    scf.if %cond3A_18 {
      %get3A_19 = arith.constant 0 : index
      %get3A_20 = arith.constant 0 : index
      %get3A_21 = vector.load %arg3[%get3A_19, %get3A_20] : memref<32x128xf32, #tpu.memory_space<vmem>>, vector<32x128xf32>
      %get3A_22 = arith.constant 0 : index
      %get3A_23 = arith.constant 0 : index
      %get3A_24 = vector.load %arg4[%get3A_22, %get3A_23] : memref<32x128xf32, #tpu.memory_space<vmem>>, vector<32x128xf32>
      %log3A = math.log %get3A_24 : vector<32x128xf32>
      %add3A_25 = arith.addf %get3A_21, %log3A : vector<32x128xf32>
      %swap3A = arith.constant 0 : index
      %swap3A_26 = arith.constant 0 : index
      %swap3A_27 = vector.load %arg2[%swap3A, %swap3A_26] : memref<32x128xf32, #tpu.memory_space<vmem>>, vector<32x128xf32>
      tpu.vector_store %arg2[%swap3A, %swap3A_26], %add3A_25 {strides = array<i32>} : memref<32x128xf32, #tpu.memory_space<vmem>>, vector<32x128xf32>,
    } else {
    }
    return
  }
  func.func @transform_0(%arg0: i32) -> (i32, i32) {
    %c0_i32 = arith.constant 0 : i32
    %c0_i32_0 = arith.constant 0 : i32
    return %c0_i32, %arg0 : i32, i32
  }
  func.func @transform_1(%arg0: i32) -> (i32, i32) {
    %c0_i32 = arith.constant 0 : i32
    %c0_i32_0 = arith.constant 0 : i32
    %c0_i32_1 = arith.constant 0 : i32
    return %c0_i32, %c0_i32_0 : i32, i32
  }
}

</mosaic_0001>

<sc_bundles>
// kernel: kernel.4.cloned.1.call-start
scs
__scs_entry_jumppad:
0x0: {  	(pc) =	sbr.rel $0x88, $3  }
0x1: {  	(tag) =	ssettag $0x0;
	lr =	simm.s32 $0x1  }
0x2: {  	[smem:$0x3F9F] =	sst lr;
	_ =	strace $0xD0000000  }
0x3: {  	_ = 	snop  }
0x4: {  	_ = 	snop  }
0x5: {  	_ = 	snop  }
0x6: {  	_ = 	snop  }
0x7: {  	_ = 	snop  }
__scs_overlays_trampoline_lowered:
0x8: {  	[smem:$0x3FAE] =	sst s0  }
0x9: {  	[smem:$0x3FAF] =	sst s1  }
0xa: {  	[smem:$0x3FB0] =	sst s2  }
0xb: {  	[smem:$0x3FB1] =	sst s3  }
0xc: {  	[smem:$0x3FB2] =	sst s4  }
0xd: {  	[smem:$0x3FB3] =	sst s5  }
0xe: {  	[smem:$0x3FB4] =	sst s6  }
0xf: {  	[smem:$0x3FB5] =	sst s7  }
0x10: {  	[smem:$0x3FB6] =	sst s8  }
0x11: {  	[smem:$0x3FB7] =	sst s9;
	s0 =	simm.s32 @!p0 $0x0  }
0x12: {  	s1 =	sld [smem:$0x3F9D];
	s0 =	simm.s32 @p0 $0x1  }
0x13: {  	[smem:$0x3FB8] =	sst s0;
	s0 =	simm.s32 @!p1 $0x0  }
0x14: {  	s2 =	sld [smem:$0x3F9C];
	s0 =	simm.s32 @p1 $0x1  }
0x15: {  	[smem:$0x3FB9] =	sst s0;
	s0 =	simm.s32 @!p2 $0x0  }
0x16: {  	s3 =	sld [smem:$0x3FDB];
	s0 =	simm.s32 @p2 $0x1  }
0x17: {  	s4 =	simm.s32 $0x1BF5;
	[smem:$0x3FBB] =	sst s0  }
0x18: {  	s0 =	sld [smem:$0x3F9E];
	_ =	swait.ge [sflag:s4], $0x0  }
0x19: {  	s7 =	sld [smem:$0x3F9F]  }
0x1a: {  	s8 =	sadd.s32 $0xFFFFE003, lr  }
0x1b: {  	s9 =	sadd.s32 $0xFFFFFEF7, lr;
	s5 =	simm.s32 $0xFFFFFFFF;
	p2 =	slt.u32 s8, $0xFFFFF086  }
0x1c: {  	p1 =	slt.u32 s9, $0xF7A;
	s5 =	simm.s32 @!p2 $0x0  }
0x1d: {  	s5 =	simm.s32 @p1 $0x1;
	p0 =	seq.s32 s7, s2  }
0x1e: {  	s7 =	smul.u32 @!p0 $0xF7A, s2;
	p2 =	seq.s32 @!p0 s5, $0x0  }
0x1f: {  	s9 =	smul.u32 $0xF7A, s1;
	s8 =	simm.s32 @!p0 $0x1BF5;
	p2 =	por !p2, p0  }
0x20: {  	[sflag:s8] =	ssyncset.s32 @!p0 $0xFFFFF086;
	s6 =	sadd.s32 @!p0 s3, s7;
	s7 =	simm.s32 @!p0 $0x108  }
0x21: {  	s3 =	sadd.s32 s3, s9;
	s6 =	sadd.s32 @!p0 $0x88, s6;
	s7 =	simm.s32 @p2 $0x1082  }
0x22: {  	[simem:s7], [sflag:s8] =	dma.local @!p0 [hbm:s6], $0xF7A  }
0x23: {  	s9 =	sor.u32 $0xD0000000, s2;
	s6 =	simm.s32 $0x108;
	_ =	swait.ge @!p0 [sflag:s8], $0x0  }
0x24: {  	s3 =	sadd.s32 $0x88, s3;
	s6 =	simm.s32 @!p1 $0x1082;
	[sflag:s4] =	ssyncset.s32 $0xFFFFF086  }
0x25: {  	[simem:s6], [sflag:s4] =	dma.local [hbm:s3], $0xF7A  }
0x26: {  	[smem:$0x3F9F] =	sst s1;
	(tag) =	ssettag s2;
	_ =	strace s9  }
0x27: {  	s1 =	sld [smem:$0x3FAF]  }
0x28: {  	s2 =	sld [smem:$0x3FB0]  }
0x29: {  	s4 =	sld [smem:$0x3FB2]  }
0x2a: {  	p0 =	seq.s32 s5, $0x0;
	s5 =	sld [smem:$0x3FB3]  }
0x2b: {  	s6 =	sld [smem:$0x3FB4]  }
0x2c: {  	s7 =	sld [smem:$0x3FB5]  }
0x2d: {  	s3 =	simm.s32 $0x108;
	s8 =	sld [smem:$0x3FB6]  }
0x2e: {  	s3 =	simm.s32 @!p0 $0x1082;
	s9 =	sld [smem:$0x3FB7]  }
0x2f: {  	lr =	sadd.s32 s0, s3;
	s0 =	sld [smem:$0x3FAE]  }
0x30: {  	s3 =	sld [smem:$0x3FB1]  }
0x31: {  	[smem:$0x3FBA] =	sst s10  }
0x32: {  	s10 =	sld [smem:$0x3FB8];
	_ =	sdelay $0x3  }
0x33: {  	p0 =	seq.s32 s10, $0x1;
	s10 =	sld [smem:$0x3FBA];
	_ =	sdelay $0x3  }
0x34: {  	[smem:$0x3FBA] =	sst s10  }
0x35: {  	s10 =	sld [smem:$0x3FB9];
	_ =	sdelay $0x3  }
0x36: {  	p1 =	seq.s32 s10, $0x1;
	s10 =	sld [smem:$0x3FBA];
	_ =	sdelay $0x3  }
0x37: {  	[smem:$0x3FBA] =	sst s10  }
0x38: {  	s10 =	sld [smem:$0x3FBB]  }
0x39: {  	_ = 	snop;
	(pc) =	sbr.ind lr, $3  }
0x3a: {  	_ = 	snop  }
0x3b: {  	_ = 	snop  }
0x3c: {  	p2 =	seq.s32 s10, $0x1;
	s10 =	sld [smem:$0x3FBA]  }
0x3d: {  	_ =	shalt  }
0x3e: {  	_ =	shalt  }
0x3f: {  	_ =	shalt  }
0x40: {  	_ =	shalt  }
0x41: {  	_ =	shalt  }
0x42: {  	_ =	shalt  }
0x43: {  	_ =	shalt  }
0x44: {  	_ =	shalt  }
0x45: {  	_ =	shalt  }
0x46: {  	_ =	shalt  }
0x47: {  	_ =	shalt  }
0x48: {  	_ =	shalt  }
0x49: {  	_ =	shalt  }
0x4a: {  	_ =	shalt  }
0x4b: {  	_ =	shalt  }
0x4c: {  	_ =	shalt  }
0x4d: {  	_ =	shalt  }
0x4e: {  	_ =	shalt  }
0x4f: {  	_ =	shalt  }
0x50: {  	_ =	shalt  }
0x51: {  	_ =	shalt  }
0x52: {  	_ =	shalt  }
0x53: {  	_ =	shalt  }
0x54: {  	_ =	shalt  }
0x55: {  	_ =	shalt  }
0x56: {  	_ =	shalt  }
0x57: {  	_ =	shalt  }
0x58: {  	_ =	shalt  }
0x59: {  	_ =	shalt  }
0x5a: {  	_ =	shalt  }
0x5b: {  	_ =	shalt  }
0x5c: {  	_ =	shalt  }
0x5d: {  	_ =	shalt  }
0x5e: {  	_ =	shalt  }
0x5f: {  	_ =	shalt  }
0x60: {  	_ =	shalt  }
0x61: {  	_ =	shalt  }
0x62: {  	_ =	shalt  }
0x63: {  	_ =	shalt  }
0x64: {  	_ =	shalt  }
0x65: {  	_ =	shalt  }
0x66: {  	_ =	shalt  }
0x67: {  	_ =	shalt  }
0x68: {  	_ =	shalt  }
0x69: {  	_ =	shalt  }
0x6a: {  	_ =	shalt  }
0x6b: {  	_ =	shalt  }
0x6c: {  	_ =	shalt  }
0x6d: {  	_ =	shalt  }
0x6e: {  	_ =	shalt  }
0x6f: {  	_ =	shalt  }
0x70: {  	_ =	shalt  }
0x71: {  	_ =	shalt  }
0x72: {  	_ =	shalt  }
0x73: {  	_ =	shalt  }
0x74: {  	_ =	shalt  }
0x75: {  	_ =	shalt  }
0x76: {  	_ =	shalt  }
0x77: {  	_ =	shalt  }
0x78: {  	_ =	shalt  }
0x79: {  	_ =	shalt  }
0x7a: {  	_ =	shalt  }
0x7b: {  	_ =	shalt  }
0x7c: {  	_ =	shalt  }
0x7d: {  	_ =	shalt  }
0x7e: {  	_ =	shalt  }
0x7f: {  	_ =	shalt  }
0x80: {  	_ =	shalt  }
0x81: {  	_ =	shalt  }
0x82: {  	_ =	shalt  }
0x83: {  	_ =	shalt  }
0x84: {  	_ =	shalt  }
0x85: {  	_ =	shalt  }
0x86: {  	_ =	shalt  }
0x87: {  	_ =	shalt  }
.Lfunc_end0:
.L_simem_size_0:
called_computation_lowered:
.L_overlay_start_0:
0x88: {  	s2 =	sld [smem:$0x3FD9]  }
0x89: {  	s3 =	sld [smem:$0x3FFE];
	_ =	sdelay $0x1  }
0x8a: {  	s1 =	srdreg.scid  }
0x8b: {  	s0 =	sand.u32 $0x1, s1  }
0x8c: {  	s17 =	sshll.u32 s0, $0xA;
	s2 =	sadd.s32 s3, s2  }
0x8d: {  	s2 =	sadd.s32 s2, s17  }
0x8e: {  	[smem:$0x3FC6] =	sst s2  }
0x8f: {  	_ = 	snop  }
0x90: {  	s2 =	sld [smem:$0x3FC9]  }
0x91: {  	s18 =	sld [smem:$0x3FD0];
	(tm) =	ssettm $0x1  }
0x92: {  	s4 =	sld [smem:$0x3FFB];
	_ =	sdelay $0x3  }
0x93: {  	_ =	strace s4  }
0x94: {  	s4 =	sld [smem:$0x3FFC];
	_ =	sdelay $0x3  }
0x95: {  	_ =	strace s4  }
0x96: {  	s4 =	sld [smem:$0x3FFD];
	_ =	sdelay $0x3  }
0x97: {  	_ =	strace s4  }
0x98: {  	_ =	strace $0x8FFFFFFF  }
0x99: {  	s19 =	sld [smem:$0x3FDB];
	_ =	sdelay $0x1  }
0x9a: {  	s5 =	simm.s32 $_scs_section_size  }
0x9b: {  	s6 =	simm.s32 $_size__tile_overlayer_lowered;
	s7 =	simm.s32 $_tile_overlayer_lowered  }
0x9c: {  	s22 =	simm.s32 $0x1BFF;
	s21 =	sshll.u32 s7, $0x1;
	s4 =	sadd.s32 s5, s19  }
0x9d: {  	s8 =	simm.s32 $0x0;
	s20 =	sshll.u32 s6, $0x1;
	s6 =	sadd.s32 s21, s4  }
0x9e: {  	[timem:s8], [sflag:s22] =	dma.local [hbm:s6], s20  }
0x9f: {  	_ =	swait.ge [sflag:s22], s20  }
0xa0: {  	s5 =	ssub.s32 $0x0, s20;
	[sflag:s22] =	ssyncset.done $0x0  }
0xa1: {  	[sflag:s22] =	ssyncadd.s32 s5;
	_ =	sdelay $0x1  }
0xa2: {  	s23 =	simm.s32 $0x1B8B  }
0xa3: {  	_ =	swait.ge [sflag:s23], $0x1  }
0xa4: {  	[sflag:s23] =	ssyncset.done $0x0  }
0xa5: {  	s25 =	simm.s32 $0x1B8E;
	s24 =	sld [smem:$0x3FFE];
	[sflag:s23] =	ssyncadd.s32 $0xFFFFFFFF  }
0xa6: {  	s26 =	simm.s32 $execute0_lowered;
	[smem:$0x3FD2] =	sst s25  }
0xa7: {  	s6 =	sshll.u32 s26, $0x1;
	_ =	strace $0x80000046;
	[dreg:$0x1] =	wrdreg $0xFFFFFFFF  }
0xa8: {  	s28 =	simm.s32 $_size_execute0_lowered;
	s4 =	sadd.s32 s4, s6;
	[dreg:$0x0] =	wrdreg $0x0  }
0xa9: {  	s6 =	sshll.u32 s28, $0x1;
	[dreg:$0x2] =	wrdreg s4  }
0xaa: {  	[dreg:$0x3] =	wrdreg s6  }
0xab: {  	[dreg:$0x4] =	wrdreg $0xC0  }
0xac: {  	_ =	task [dreg:s8], $0x5FFFF  }
0xad: {  	[dreg:$0x1] =	wrdreg $0xFFFFFFFF  }
0xae: {  	[dreg:$0x0] =	wrdreg $0x60  }
0xaf: {  	[dreg:$0x2] =	wrdreg s24  }
0xb0: {  	[dreg:$0x3] =	wrdreg s2  }
0xb1: {  	[dreg:$0x4] =	wrdreg s18  }
0xb2: {  	[dreg:$0x5] =	wrdreg $0x9  }
0xb3: {  	_ =	task.clear_ibuf [dreg:s8], $0x6FFFF;
	_ =	strace $0x90000046  }
0xb4: {  	s29 =	simm.s32 $0x9;
	_ =	strace $0x80000048  }
0xb5: {  	_ =	swait.ge [sflag:s29], $0x1  }
0xb6: {  	[sflag:s29] =	ssyncadd.s32 $0xFFFFFFFF  }
0xb7: {  	_ =	strace $0x90000048  }
0xb8: {  	_ =	sfence  }
0xb9: {  	s30 =	sld [smem:$0x0];
	_ =	sdelay $0x2  }
0xba: {  	s31 =	sshll.u32 s1, $0xD;
	s1 =	sshrl.u32 s1, $0x2  }
0xbb: {  	s3 =	sand.u32 $0x4000, s31;
	s1 =	sadd.s32 s1, s30  }
0xbc: {  	s0 =	sor.u32 s3, s0;
	s1 =	sshll.u32 s1, $0x11  }
0xbd: {  	s0 =	sor.u32 s1, s0  }
0xbe: {  	s0 =	sadd.s32 $0x8F2B, s0  }
0xbf: {  	[sflag:s0] =	ssyncadd.remote.s32 $0x1  }
0xc0: {  	_ =	sfence.sel $0xFFFF  }
0xc1: {  	[dreg:$0x0] =	wrdreg $0xFFFFFFFF;
	(pc) =	sbr.abs _section_cstart, $3  }
0xc2: {  	[dreg:$0x1] =	wrdreg $0xFFFFFFFF  }
0xc3: {  	_ =	task.clear_ibuf [dreg:s8], $0x2FFFF;
	_ =	strace $0x9FFFFFFF  }
0xc4: {  	(tm) =	ssettm $0x7FFFFFFF  }
0xc5: {  	_ =	shalt  }
tec
execute0_lowered:
.L_overlay_start_1:
0x0: {  	(tag) =	ssettag $0x1  }
0x1: {  	s7 =	rddreg [dreg:$0x0]  }
0x2: {  	s3 =	rddreg [dreg:$0x1]  }
0x3: {  	s1 =	srdreg.scid;
	s0 =	stileid.u32  }
0x4: {  	s12 =	rddreg [dreg:$0x2];
	s13 =	sand.u32 $0x1, s1;
	s4 =	sshll.u32 s0, $0x1  }
0x5: {  	s2 =	simm.s32 $0x0;
	s1 =	rddreg [dreg:$0x3];
	s8 =	sor.u32 s13, s4  }
0x6: {  	[smem:$0x7FF] =	sst s2;
	s14 =	sshll.u32 s8, $0x4  }
0x7: {  	_ =	strace $0x80000047;
	s4 =	sadd.s32 s3, s14;
	s3 =	simm.s32 $0x2  }
0x8: {  	[tilespmem:s2], [sflag:$0x2] =	stream.linear.gather [hbm4b:s4+s2], $0x80, $0x38;
	[tilespmem:$0x280] =	vst v63  }
0x9: {  	_ =	swait.ge [sflag:s3], $0x80  }
0xa: {  	s5 =	sadd.s32 s14, s7;
	[sflag:s3] =	ssyncset.done $0x0  }
0xb: {  	s6 =	simm.s32 $0x180;
	s5 =	sadd.s32 $0x3D0E00, s5;
	[sflag:s3] =	ssyncadd.s32 $0xFFFFFF80  }
0xc: {  	[tilespmem:s6], [sflag:$0x2] =	stream.linear.gather [hbm4b:s5+s2], $0x20, $0x38;
	[tilespmem:$0x280] =	vst v63  }
0xd: {  	_ =	swait.ge [sflag:s3], $0x20  }
0xe: {  	[sflag:s3] =	ssyncset.done $0x0  }
0xf: {  	[sflag:s3] =	ssyncadd.s32 $0xFFFFFFE0  }
0x10: {  	v1 =	vld [tilespmem:$0x0]  }
0x11: {  	v2 =	vld [tilespmem:$0x10]  }
0x12: {  	s8 =	smul.u32 $0xF4240, s8;
	_ =	sdelay $0x1  }
0x13: {  	v0 =	vmov s8  }
0x14: {  	v1 =	vadd.s32 v0, v1  }
0x15: {  	s9 =	simm.s32 $0x80;
	s10 =	simm.s32 $0x100;
	[tilespmem:$0x80] =	vst v1;
	v1 =	vadd.s32 v0, v2  }
0x16: {  	s11 =	simm.s32 $0x1;
	s7 =	sadd.s32 $0x400, s7;
	s8 =	simm.s32 $0x20;
	[tilespmem:$0x90] =	vst v1  }
0x17: {  	[tilespmem:s10], [sflag:$0x1] =	stream.indirect.gather [hbm4b:s7+s8], $0x1, s9, s8, $0xb8;
	[tilespmem:$0x280] =	vst v63  }
0x18: {  	_ =	swait.ge [sflag:s11], $0x20  }
0x19: {  	[sflag:s11] =	ssyncset.done $0x0  }
0x1a: {  	[sflag:s11] =	ssyncadd.s32 $0xFFFFFFE0  }
0x1b: {  	s13 =	ssub.s32 $0x2, s13;
	v1 =	vld [tilespmem:$0x190]  }
0x1c: {  	s15 =	sshrl.u32 s13, $0x1;
	v2 =	vld [tilespmem:$0x110]  }
0x1d: {  	s13 =	ssub.s32 s13, s15;
	v3 =	vld [tilespmem:$0x100]  }
0x1e: {  	s15 =	smax.u32 s13, $0x1;
	v4 =	vld [tilespmem:$0x180]  }
0x1f: {  	p0 =	sne.s32 s15, $0x1  }
.Ltmp0:
0x20: {  	_ = 	snop;
	(pc) =	sbr.rel @!p0 .LBB2_2-.Ltmp0, $4  }
0x21: {  	_ = 	snop  }
0x22: {  	v2 =	vsub.f32 v2, v1  }
0x23: {  	v1 =	vsub.f32 v3, v4  }
0x24: {  	s12 =	sadd.s32 s12, s14;
	s13 =	simm.s32 $0x200;
	s14 =	sadd.s32 $0xFFFFFFFF, s15;
	[tilespmem:$0x210] =	vst v2  }
.LBB2_1:
0x25: {  	p0 =	sne.s32 s14, $0x1;
	s14 =	sadd.s32 $0xFFFFFFFF, s14;
	[tilespmem:$0x200] =	vst v1  }
0x26: {  	[hbm4b:s12+s2] =	stream.linear.scatter [tilespmem:s13], [sflag:$0x2], $0x80, $0x38;
	[tilespmem:$0x280] =	vst v63  }
0x27: {  	_ =	swait.ge [sflag:s3], $0x80  }
0x28: {  	[sflag:s3] =	ssyncset.done $0x0  }
0x29: {  	[sflag:s3] =	ssyncadd.s32 $0xFFFFFF80  }
0x2a: {  	[tilespmem:s2], [sflag:$0x2] =	stream.linear.gather [hbm4b:s4+s2], $0x80, $0x38;
	[tilespmem:$0x280] =	vst v63  }
0x2b: {  	_ =	swait.ge [sflag:s3], $0x80  }
0x2c: {  	[sflag:s3] =	ssyncset.done $0x0  }
0x2d: {  	[sflag:s3] =	ssyncadd.s32 $0xFFFFFF80  }
0x2e: {  	[tilespmem:s6], [sflag:$0x2] =	stream.linear.gather [hbm4b:s5+s2], $0x20, $0x38;
	[tilespmem:$0x280] =	vst v63  }
0x2f: {  	_ =	swait.ge [sflag:s3], $0x20  }
0x30: {  	[sflag:s3] =	ssyncset.done $0x0  }
0x31: {  	[sflag:s3] =	ssyncadd.s32 $0xFFFFFFE0  }
0x32: {  	v1 =	vld [tilespmem:$0x0]  }
0x33: {  	v2 =	vld [tilespmem:$0x10];
	_ =	sdelay $0x3  }
0x34: {  	v1 =	vadd.s32 v0, v1  }
0x35: {  	[tilespmem:$0x80] =	vst v1;
	v1 =	vadd.s32 v0, v2  }
0x36: {  	[tilespmem:$0x90] =	vst v1  }
0x37: {  	[tilespmem:s10], [sflag:$0x1] =	stream.indirect.gather [hbm4b:s7+s8], $0x1, s9, s8, $0xb8;
	[tilespmem:$0x280] =	vst v63  }
0x38: {  	_ =	swait.ge [sflag:s11], $0x20  }
0x39: {  	[sflag:s11] =	ssyncset.done $0x0  }
0x3a: {  	[sflag:s11] =	ssyncadd.s32 $0xFFFFFFE0  }
0x3b: {  	v1 =	vld [tilespmem:$0x190]  }
0x3c: {  	v2 =	vld [tilespmem:$0x100]  }
0x3d: {  	v3 =	vld [tilespmem:$0x110]  }
0x3e: {  	v4 =	vld [tilespmem:$0x180];
	_ =	sdelay $0x1  }
.Ltmp1:
0x3f: {  	(pc) =	sbr.rel @p0 .LBB2_1-.Ltmp1, $4  }
0x40: {  	_ = 	snop  }
0x41: {  	v3 =	vsub.f32 v3, v1  }
0x42: {  	v1 =	vsub.f32 v2, v4  }
0x43: {  	[tilespmem:$0x210] =	vst v3  }
.LBB2_2:
0x44: {  	[tilespmem:$0x200] =	vst v1  }
0x45: {  	[hbm4b:s12+s2] =	stream.linear.scatter [tilespmem:s13], [sflag:$0x2], $0x80, $0x38;
	[tilespmem:$0x280] =	vst v63  }
0x46: {  	_ =	swait.ge [sflag:s3], $0x80  }
0x47: {  	[sflag:s3] =	ssyncset.done $0x0  }
0x48: {  	[sflag:s3] =	ssyncadd.s32 $0xFFFFFF80  }
0x49: {  	_ =	sfence.sel $0x180000  }
0x4a: {  	[bflag:$0x0] =	sbarrier.arrive $0xFFFF  }
0x4b: {  	p0 =	sne.s32 s0, $0x0;
	_ =	strace $0x90000047  }
0x4c: {  	s0 =	sadd.s32 @!p0 $0x100000, s1;
	[bflag:$0x2] =	sbarrier.arrive $0xFFFF  }
0x4d: {  	[sflag:s0] =	ssyncadd.tile.s32 @!p0 $0x1;
	_ =	shalt  }
.Lfunc_end2:
_tile_overlayer_lowered:
.L_overlay_start_2:
0x4e: {  	(tag) =	ssettag $0x2  }
0x4f: {  	s0 =	rddreg [dreg:$0x0];
	s2 =	stileid.u32  }
0x50: {  	s1 =	rddreg [dreg:$0x1];
	p0 =	sne.s32 s2, $0x0  }
0x51: {  	s3 =	rddreg [dreg:$0x2];
	[bflag:$0x3] =	sbarrier.arrive $0xFFFF;
	s2 =	simm.s32 @!p0 $0x1C02  }
0x52: {  	[timem:s3], [sflag:s2] =	dma.local @!p0 [hbm:s0], s1  }
0x53: {  	s0 =	simm.s32 @!p0 $0x2  }
0x54: {  	_ =	swait.ge @!p0 [sflag:s0], s1  }
0x55: {  	s1 =	ssub.s32 @!p0 $0x0, s1;
	[sflag:s0] =	ssyncset.done @!p0 $0x0  }
0x56: {  	[sflag:s0] =	ssyncadd.s32 @!p0 s1  }
0x57: {  	[bflag:$0x3] =	sbarrier.arrive $0xFFFF  }
0x58: {  	_ =	shalt  }

</sc_bundles>
